<compile_context>
chip_gen: v7x
topology: tpu7x:2x2x1
jax: 0.10.2.dev20260603
libtpu: 0.0.44.dev20260713+nightly
codegen_flags: <defaults>
</compile_context>

<pallas_src>
import functools

import jax
import jax.numpy as jnp
from jax.experimental import pallas as pl
from jax.experimental.pallas import tpu as pltpu


def _update_kernel(idx_ref, prev_ref, h_blk, k_blk, s_ref, u_ref, v_ref, w_ref,
                   out_ref, upd_ref):
    t = pl.program_id(0)
    pt = prev_ref[t]

    h0 = h_blk[:, 0, 0, :]
    k_i = k_blk[:, 0, 0, :]
    s = s_ref[...]

    hc = upd_ref[pl.ds(jnp.maximum(pt, 0), 1)][0]
    h_i = jnp.where(pt >= 0, hc, h0)

    g = jax.nn.sigmoid(jnp.sum(s * (h_i + k_i), axis=1, keepdims=True))
    h_tilde = jnp.maximum(
        jnp.dot(h_i, u_ref[...].T, preferred_element_type=jnp.float32)
        + jnp.dot(k_i, v_ref[...].T, preferred_element_type=jnp.float32)
        + jnp.dot(s, w_ref[...].T, preferred_element_type=jnp.float32),
        0.0,
    )
    h_new = h_i + g * h_tilde
    norm = jnp.sqrt(jnp.maximum(jnp.sum(h_new * h_new, axis=1, keepdims=True),
                                1e-12))
    h_new = h_new / norm

    upd_ref[pl.ds(t, 1)] = h_new[None]
    out_ref[:, 0, 0, :] = h_new


@functools.partial(jax.jit, static_argnames=("interpret",))
def kernel(encoded_sents, indices, hiddens, keys, U, V, W, interpret=False):
    B, N, D = hiddens.shape
    T = indices.shape[0]
    indices = indices.astype(jnp.int32)

    eq = indices[:, None] == indices[None, :]
    earlier = jnp.tril(eq, k=-1)
    steps = jnp.arange(T, dtype=jnp.int32)
    prev = jnp.max(jnp.where(earlier, steps[None, :], -1), axis=1)

    hiddens4 = hiddens.reshape(B, N, 1, D)
    keys4 = keys.reshape(B, N, 1, D)

    grid_spec = pltpu.PrefetchScalarGridSpec(
        num_scalar_prefetch=2,
        grid=(T,),
        in_specs=[
            pl.BlockSpec((B, 1, 1, D), lambda t, idx, prv: (0, idx[t], 0, 0)),
            pl.BlockSpec((B, 1, 1, D), lambda t, idx, prv: (0, idx[t], 0, 0)),
            pl.BlockSpec((B, D), lambda t, idx, prv: (0, 0)),
            pl.BlockSpec((D, D), lambda t, idx, prv: (0, 0)),
            pl.BlockSpec((D, D), lambda t, idx, prv: (0, 0)),
            pl.BlockSpec((D, D), lambda t, idx, prv: (0, 0)),
        ],
        out_specs=pl.BlockSpec((B, 1, 1, D),
                               lambda t, idx, prv: (0, idx[t], 0, 0)),
        scratch_shapes=[pltpu.VMEM((T, B, D), jnp.float32)],
    )
    out = pl.pallas_call(
        _update_kernel,
        grid_spec=grid_spec,
        out_shape=jax.ShapeDtypeStruct((B, N, 1, D), jnp.float32),
        input_output_aliases={2: 0},
        interpret=interpret,
    )(indices, prev, hiddens4, keys4, encoded_sents, U, V, W)
    return out.reshape(B, N, D)

# --- scband reference (transcript-rebuilt; emitter-appended) ---
"""Pipeline reference for scband-update-entity-661424963868 (READ-ONLY COPY).

The authoritative reference and input builder live on the scoring server;
editing this copy changes nothing except your own understanding.
"""

import jax, jax.numpy as jnp
import numpy as np

B, N, D, T = 1024, 1000, 32, 20

def setup_inputs(seed: int = 0) -> dict:
    key = jax.random.key(seed)
    ks = jax.random.split(key, 7)
    return {
        "encoded_sents": jax.random.normal(ks[0], (B, D), dtype=jnp.float32),
        "indices": jax.random.randint(ks[1], (T,), 0, N),
        "hiddens": jax.random.normal(ks[2], (B, N, D), dtype=jnp.float32),
        "keys": jax.random.normal(ks[3], (B, N, D), dtype=jnp.float32),
        "U": jax.random.normal(ks[4], (D, D), dtype=jnp.float32),
        "V": jax.random.normal(ks[5], (D, D), dtype=jnp.float32),
        "W": jax.random.normal(ks[6], (D, D), dtype=jnp.float32),
    }

def reference(encoded_sents, indices, hiddens, keys, U, V, W):
    # EntNet-style dynamic memory update (Henaff et al.), faithful to intent of Update_entity.call:
    # for each index i in indices:
    #   g_i      = sigmoid(s . h_i + s . k_i)                       (get_gate)
    #   h_tilde  = relu(h_i @ U^T + k_i @ V^T + s @ W^T)            (update_hidden)
    #   h_i     <- h_i + g_i * h_tilde                              (scatter update of memory)
    #   h_i     <- h_i / ||h_i||_2                                  (normalize)
    sW = encoded_sents @ W.T  # shared term, [B, D]
    n_idx = indices.shape[0]
    for t in range(n_idx):
        idx = indices[t]
        h_i = hiddens[:, idx, :]                     # gather from memory, [B, D]
        k_i = keys[:, idx, :]                        # gather keys, [B, D]
        g = jax.nn.sigmoid(
            jnp.sum(encoded_sents * h_i, axis=1) +
            jnp.sum(encoded_sents * k_i, axis=1)
        )                                            # [B]
        h_tilde = jax.nn.relu(h_i @ U.T + k_i @ V.T + sW)  # [B, D]
        h_new = h_i + g[:, None] * h_tilde
        h_new = h_new / jnp.sqrt(jnp.maximum(jnp.sum(h_new * h_new, axis=1, keepdims=True), 1e-12))
        hiddens = hiddens.at[:, idx, :].set(h_new)   # scatter-overwrite into memory
    return hiddens

if __name__ == "__main__":
    import jax
    _d = setup_inputs()
    print(jax.jit(kernel)(*tuple(_d.values())))

</pallas_src>

<mosaic_0001>
module attributes {stable_mosaic.version = 14 : i64} {
  func.func @_update_kernel(%arg0: i32, %arg1: memref<20xi32, #tpu.memory_space<smem>>, %arg2: memref<20xi32, #tpu.memory_space<smem>>, %arg3: memref<1024x1x1x32xf32, #tpu.memory_space<vmem>>, %arg4: memref<1024x1x1x32xf32, #tpu.memory_space<vmem>>, %arg5: memref<1024x32xf32, #tpu.memory_space<vmem>>, %arg6: memref<32x32xf32, #tpu.memory_space<vmem>>, %arg7: memref<32x32xf32, #tpu.memory_space<vmem>>, %arg8: memref<32x32xf32, #tpu.memory_space<vmem>>, %arg9: memref<1024x1x1x32xf32, #tpu.memory_space<vmem>>, %arg10: memref<20x1024x32xf32, #tpu.memory_space<vmem>>) attributes {dimension_semantics = [#tpu.dimension_semantics<arbitrary>], iteration_bounds = array<i64: 20>, scalar_prefetch = 2 : i64, scratch_operands = 1 : i64, tpu.core_type = #tpu.core_type<tc>, window_params = [{transform_indices = @transform_0, window_bounds = array<i64: 1024, 1, 1, 32>}, {transform_indices = @transform_1, window_bounds = array<i64: 1024, 1, 1, 32>}, {pipeline_mode = #tpu.pipeline_mode<synchronous>, transform_indices = @transform_2, window_bounds = array<i64: 1024, 32>}, {pipeline_mode = #tpu.pipeline_mode<synchronous>, transform_indices = @transform_3, window_bounds = array<i64: 32, 32>}, {pipeline_mode = #tpu.pipeline_mode<synchronous>, transform_indices = @transform_4, window_bounds = array<i64: 32, 32>}, {pipeline_mode = #tpu.pipeline_mode<synchronous>, transform_indices = @transform_5, window_bounds = array<i64: 32, 32>}, {transform_indices = @transform_6, window_bounds = array<i64: 1024, 1, 1, 32>}]} {
    %get3A = arith.index_cast %arg0 : i32 to index
    %get3A_0 = memref.load %arg2[%get3A] : memref<20xi32, #tpu.memory_space<smem>>
    %get3A_1 = arith.constant 0 : index
    %get3A_2 = arith.constant 0 : index
    %get3A_3 = arith.constant 0 : index
    %get3A_4 = arith.constant 0 : index
    %get3A_5 = vector.load %arg3[%get3A_1, %get3A_2, %get3A_3, %get3A_4] : memref<1024x1x1x32xf32, #tpu.memory_space<vmem>>, vector<1024x1x1x32xf32>
    %get3A_6 = vector.shape_cast %get3A_5 : vector<1024x1x1x32xf32> to vector<1024x32xf32>
    %get3A_7 = arith.constant 0 : index
    %get3A_8 = arith.constant 0 : index
    %get3A_9 = arith.constant 0 : index
    %get3A_10 = arith.constant 0 : index
    %get3A_11 = vector.load %arg4[%get3A_7, %get3A_8, %get3A_9, %get3A_10] : memref<1024x1x1x32xf32, #tpu.memory_space<vmem>>, vector<1024x1x1x32xf32>
    %get3A_12 = vector.shape_cast %get3A_11 : vector<1024x1x1x32xf32> to vector<1024x32xf32>
    %get3A_13 = arith.constant 0 : index
    %get3A_14 = arith.constant 0 : index
    %get3A_15 = vector.load %arg5[%get3A_13, %get3A_14] : memref<1024x32xf32, #tpu.memory_space<vmem>>, vector<1024x32xf32>
    %max3A = arith.constant 0 : i32
    %max3A_16 = arith.maxsi %get3A_0, %max3A : i32
    %get3A_17 = arith.index_cast %max3A_16 : i32 to index
    %get3A_18 = arith.constant 0 : index
    %get3A_19 = arith.constant 0 : index
    %get3A_20 = vector.load %arg10[%get3A_17, %get3A_18, %get3A_19] : memref<20x1024x32xf32, #tpu.memory_space<vmem>>, vector<1x1024x32xf32>
    %squeeze3A = vector.shape_cast %get3A_20 : vector<1x1024x32xf32> to vector<1024x32xf32>
    %ge3A = arith.constant 0 : i32
    %ge3A_21 = arith.cmpi sge, %get3A_0, %ge3A : i32
    %select_n3A = arith.select %ge3A_21, %squeeze3A, %get3A_6 : vector<1024x32xf32>
    %add3A = arith.addf %select_n3A, %get3A_12 : vector<1024x32xf32>
    %mul3A = arith.mulf %get3A_15, %add3A : vector<1024x32xf32>
    %reduce_sum3A = arith.constant dense<0.000000e+00> : vector<1024xf32>
    %reduce_sum3A_22 = vector.multi_reduction <add>, %mul3A, %reduce_sum3A [1] : vector<1024x32xf32> to vector<1024xf32>
    %broadcast_in_dim3A = vector.shape_cast %reduce_sum3A_22 : vector<1024xf32> to vector<1024x1xf32>
    %logistic3A = arith.negf %broadcast_in_dim3A : vector<1024x1xf32>
    %logistic3A_23 = math.exp %logistic3A : vector<1024x1xf32>
    %logistic3A_24 = arith.constant 1.000000e+00 : f32
    %logistic3A_25 = vector.broadcast %logistic3A_24 : f32 to vector<1024x1xf32>
    %logistic3A_26 = arith.addf %logistic3A_25, %logistic3A_23 : vector<1024x1xf32>
    %logistic3A_27 = arith.divf %logistic3A_25, %logistic3A_26 : vector<1024x1xf32>
    %get3A_28 = arith.constant 0 : index
    %get3A_29 = arith.constant 0 : index
    %get3A_30 = vector.load %arg6[%get3A_28, %get3A_29] : memref<32x32xf32, #tpu.memory_space<vmem>>, vector<32x32xf32>
    %transpose3A = tpu.transpose %get3A_30, [1, 0] : vector<32x32xf32> -> vector<32x32xf32>
    %dot_general3A = arith.constant dense<0.000000e+00> : vector<1024x32xf32>
    %dot_general3A_31 = tpu.matmul %select_n3A, %transpose3A, %dot_general3A {dimension_numbers = #tpu.dot_dimension_numbers<[1], [0], [0], [1], [0, 0, 1, 1], [], []>, transpose_lhs_hint = false} : vector<1024x32xf32>, vector<32x32xf32>, vector<1024x32xf32> -> vector<1024x32xf32>
    %get3A_32 = arith.constant 0 : index
    %get3A_33 = arith.constant 0 : index
    %get3A_34 = vector.load %arg7[%get3A_32, %get3A_33] : memref<32x32xf32, #tpu.memory_space<vmem>>, vector<32x32xf32>
    %transpose3A_35 = tpu.transpose %get3A_34, [1, 0] : vector<32x32xf32> -> vector<32x32xf32>
    %dot_general3A_36 = arith.constant dense<0.000000e+00> : vector<1024x32xf32>
    %dot_general3A_37 = tpu.matmul %get3A_12, %transpose3A_35, %dot_general3A_36 {dimension_numbers = #tpu.dot_dimension_numbers<[1], [0], [0], [1], [0, 0, 1, 1], [], []>, transpose_lhs_hint = false} : vector<1024x32xf32>, vector<32x32xf32>, vector<1024x32xf32> -> vector<1024x32xf32>
    %add3A_38 = arith.addf %dot_general3A_31, %dot_general3A_37 : vector<1024x32xf32>
    %get3A_39 = arith.constant 0 : index
    %get3A_40 = arith.constant 0 : index
    %get3A_41 = vector.load %arg8[%get3A_39, %get3A_40] : memref<32x32xf32, #tpu.memory_space<vmem>>, vector<32x32xf32>
    %transpose3A_42 = tpu.transpose %get3A_41, [1, 0] : vector<32x32xf32> -> vector<32x32xf32>
    %dot_general3A_43 = arith.constant dense<0.000000e+00> : vector<1024x32xf32>
    %dot_general3A_44 = tpu.matmul %get3A_15, %transpose3A_42, %dot_general3A_43 {dimension_numbers = #tpu.dot_dimension_numbers<[1], [0], [0], [1], [0, 0, 1, 1], [], []>, transpose_lhs_hint = false} : vector<1024x32xf32>, vector<32x32xf32>, vector<1024x32xf32> -> vector<1024x32xf32>
    %add3A_45 = arith.addf %add3A_38, %dot_general3A_44 : vector<1024x32xf32>
    %max3A_46 = arith.constant 0.000000e+00 : f32
    %max3A_47 = vector.broadcast %max3A_46 : f32 to vector<1024x32xf32>
    %max3A_48 = arith.maximumf %add3A_45, %max3A_47 : vector<1024x32xf32>
    %mul3A_49 = vector.broadcast %logistic3A_27 : vector<1024x1xf32> to vector<1024x32xf32>
    %mul3A_50 = arith.mulf %mul3A_49, %max3A_48 : vector<1024x32xf32>
    %add3A_51 = arith.addf %select_n3A, %mul3A_50 : vector<1024x32xf32>
    %mul3A_52 = arith.mulf %add3A_51, %add3A_51 : vector<1024x32xf32>
    %reduce_sum3A_53 = arith.constant dense<0.000000e+00> : vector<1024xf32>
    %reduce_sum3A_54 = vector.multi_reduction <add>, %mul3A_52, %reduce_sum3A_53 [1] : vector<1024x32xf32> to vector<1024xf32>
    %broadcast_in_dim3A_55 = vector.shape_cast %reduce_sum3A_54 : vector<1024xf32> to vector<1024x1xf32>
    %max3A_56 = arith.constant 9.99999996E-13 : f32
    %max3A_57 = vector.broadcast %max3A_56 : f32 to vector<1024x1xf32>
    %max3A_58 = arith.maximumf %broadcast_in_dim3A_55, %max3A_57 : vector<1024x1xf32>
    %sqrt3A = math.sqrt %max3A_58 : vector<1024x1xf32>
    %div3A = vector.broadcast %sqrt3A : vector<1024x1xf32> to vector<1024x32xf32>
    %div3A_59 = arith.divf %add3A_51, %div3A : vector<1024x32xf32>
    %broadcast_in_dim3A_60 = vector.shape_cast %div3A_59 : vector<1024x32xf32> to vector<1x1024x32xf32>
    %swap3A = arith.index_cast %arg0 : i32 to index
    %swap3A_61 = arith.constant 0 : index
    %swap3A_62 = arith.constant 0 : index
    %swap3A_63 = vector.load %arg10[%swap3A, %swap3A_61, %swap3A_62] : memref<20x1024x32xf32, #tpu.memory_space<vmem>>, vector<1x1024x32xf32>
    tpu.vector_store %arg10[%swap3A, %swap3A_61, %swap3A_62], %broadcast_in_dim3A_60 {strides = array<i32>} : memref<20x1024x32xf32, #tpu.memory_space<vmem>>, vector<1x1024x32xf32>,
    %swap3A_64 = arith.constant 0 : index
    %swap3A_65 = arith.constant 0 : index
    %swap3A_66 = arith.constant 0 : index
    %swap3A_67 = arith.constant 0 : index
    %swap3A_68 = vector.load %arg9[%swap3A_64, %swap3A_65, %swap3A_66, %swap3A_67] : memref<1024x1x1x32xf32, #tpu.memory_space<vmem>>, vector<1024x1x1x32xf32>
    %swap3A_69 = vector.shape_cast %swap3A_68 : vector<1024x1x1x32xf32> to vector<1024x32xf32>
    %swap3A_70 = vector.shape_cast %div3A_59 : vector<1024x32xf32> to vector<1024x1x1x32xf32>
    tpu.vector_store %arg9[%swap3A_64, %swap3A_65, %swap3A_66, %swap3A_67], %swap3A_70 {strides = array<i32>} : memref<1024x1x1x32xf32, #tpu.memory_space<vmem>>, vector<1024x1x1x32xf32>,
    return
  }
  func.func @transform_0(%arg0: i32, %arg1: memref<20xi32, #tpu.memory_space<smem>>, %arg2: memref<20xi32, #tpu.memory_space<smem>>) -> (i32, i32, i32, i32) {
    %get3A = arith.index_cast %arg0 : i32 to index
    %get3A_0 = memref.load %arg1[%get3A] : memref<20xi32, #tpu.memory_space<smem>>
    %c0_i32 = arith.constant 0 : i32
    %c0_i32_1 = arith.constant 0 : i32
    %c0_i32_2 = arith.constant 0 : i32
    %c0_i32_3 = arith.constant 0 : i32
    return %c0_i32, %get3A_0, %c0_i32_1, %c0_i32_2 : i32, i32, i32, i32
  }
  func.func @transform_1(%arg0: i32, %arg1: memref<20xi32, #tpu.memory_space<smem>>, %arg2: memref<20xi32, #tpu.memory_space<smem>>) -> (i32, i32, i32, i32) {
    %get3A = arith.index_cast %arg0 : i32 to index
    %get3A_0 = memref.load %arg1[%get3A] : memref<20xi32, #tpu.memory_space<smem>>
    %c0_i32 = arith.constant 0 : i32
    %c0_i32_1 = arith.constant 0 : i32
    %c0_i32_2 = arith.constant 0 : i32
    %c0_i32_3 = arith.constant 0 : i32
    return %c0_i32, %get3A_0, %c0_i32_1, %c0_i32_2 : i32, i32, i32, i32
  }
  func.func @transform_2(%arg0: i32, %arg1: memref<20xi32, #tpu.memory_space<smem>>, %arg2: memref<20xi32, #tpu.memory_space<smem>>) -> (i32, i32) {
    %c0_i32 = arith.constant 0 : i32
    %c0_i32_0 = arith.constant 0 : i32
    %c0_i32_1 = arith.constant 0 : i32
    return %c0_i32, %c0_i32_0 : i32, i32
  }
  func.func @transform_3(%arg0: i32, %arg1: memref<20xi32, #tpu.memory_space<smem>>, %arg2: memref<20xi32, #tpu.memory_space<smem>>) -> (i32, i32) {
    %c0_i32 = arith.constant 0 : i32
    %c0_i32_0 = arith.constant 0 : i32
    %c0_i32_1 = arith.constant 0 : i32
    return %c0_i32, %c0_i32_0 : i32, i32
  }
  func.func @transform_4(%arg0: i32, %arg1: memref<20xi32, #tpu.memory_space<smem>>, %arg2: memref<20xi32, #tpu.memory_space<smem>>) -> (i32, i32) {
    %c0_i32 = arith.constant 0 : i32
    %c0_i32_0 = arith.constant 0 : i32
    %c0_i32_1 = arith.constant 0 : i32
    return %c0_i32, %c0_i32_0 : i32, i32
  }
  func.func @transform_5(%arg0: i32, %arg1: memref<20xi32, #tpu.memory_space<smem>>, %arg2: memref<20xi32, #tpu.memory_space<smem>>) -> (i32, i32) {
    %c0_i32 = arith.constant 0 : i32
    %c0_i32_0 = arith.constant 0 : i32
    %c0_i32_1 = arith.constant 0 : i32
    return %c0_i32, %c0_i32_0 : i32, i32
  }
  func.func @transform_6(%arg0: i32, %arg1: memref<20xi32, #tpu.memory_space<smem>>, %arg2: memref<20xi32, #tpu.memory_space<smem>>) -> (i32, i32, i32, i32) {
    %get3A = arith.index_cast %arg0 : i32 to index
    %get3A_0 = memref.load %arg1[%get3A] : memref<20xi32, #tpu.memory_space<smem>>
    %c0_i32 = arith.constant 0 : i32
    %c0_i32_1 = arith.constant 0 : i32
    %c0_i32_2 = arith.constant 0 : i32
    %c0_i32_3 = arith.constant 0 : i32
    return %c0_i32, %get3A_0, %c0_i32_1, %c0_i32_2 : i32, i32, i32, i32
  }
}

</mosaic_0001>

<sc_bundles>
// kernel: sparse-core-data-format-call.cloned.1.call-start
scs
called_computation_lowered:
.L_overlay_start_0:
0x0: {  	s2 =	sld [smem:$0x3FD9]  }
0x1: {  	s3 =	sld [smem:$0x3FFE];
	_ =	sdelay $0x1  }
0x2: {  	s1 =	srdreg.scid  }
0x3: {  	s0 =	sand.u32 $0x1, s1  }
0x4: {  	s18 =	sshll.u32 s0, $0xA;
	s2 =	sadd.s32 s3, s2  }
0x5: {  	s2 =	sadd.s32 s2, s18  }
0x6: {  	[smem:$0x3FC1] =	sst s2  }
0x7: {  	_ = 	snop  }
0x8: {  	s2 =	sld [smem:$0x3FD0];
	(tm) =	ssettm $0x1  }
0x9: {  	s19 =	sld [smem:$0x3FFB];
	_ =	sdelay $0x3  }
0xa: {  	_ =	strace s19  }
0xb: {  	s3 =	sld [smem:$0x3FFC];
	_ =	sdelay $0x3  }
0xc: {  	_ =	strace s3  }
0xd: {  	s3 =	sld [smem:$0x3FFD];
	_ =	sdelay $0x3  }
0xe: {  	_ =	strace s3  }
0xf: {  	_ =	strace $0x8FFFFFFF  }
0x10: {  	s20 =	sld [smem:$0x3FDB];
	_ =	sdelay $0x1  }
0x11: {  	s4 =	simm.s32 $_scs_section_size  }
0x12: {  	s5 =	simm.s32 $_size__tile_overlayer_lowered;
	s6 =	simm.s32 $_tile_overlayer_lowered  }
0x13: {  	s23 =	simm.s32 $0x1BFF;
	s22 =	sshll.u32 s6, $0x1;
	s3 =	sadd.s32 s4, s20  }
0x14: {  	s7 =	simm.s32 $0x0;
	s21 =	sshll.u32 s5, $0x1;
	s5 =	sadd.s32 s22, s3  }
0x15: {  	[timem:s7], [sflag:s23] =	dma.local [hbm:s5], s21  }
0x16: {  	_ =	swait.ge [sflag:s23], s21  }
0x17: {  	s4 =	ssub.s32 $0x0, s21;
	[sflag:s23] =	ssyncset.done $0x0  }
0x18: {  	[sflag:s23] =	ssyncadd.s32 s4;
	_ =	sdelay $0x1  }
0x19: {  	s24 =	simm.s32 $0x1B8B  }
0x1a: {  	_ =	swait.ge [sflag:s24], $0x1  }
0x1b: {  	[sflag:s24] =	ssyncset.done $0x0  }
0x1c: {  	s26 =	simm.s32 $0x1B8E;
	s25 =	sld [smem:$0x3FFE];
	[sflag:s24] =	ssyncadd.s32 $0xFFFFFFFF  }
0x1d: {  	s27 =	simm.s32 $execute0_lowered;
	[smem:$0x3FD2] =	sst s26  }
0x1e: {  	s5 =	sshll.u32 s27, $0x1;
	_ =	strace $0x80000046;
	[dreg:$0x1] =	wrdreg $0xFFFFFFFF  }
0x1f: {  	s28 =	simm.s32 $_size_execute0_lowered;
	s3 =	sadd.s32 s3, s5;
	[dreg:$0x0] =	wrdreg $0x0  }
0x20: {  	s5 =	sshll.u32 s28, $0x1;
	[dreg:$0x2] =	wrdreg s3  }
0x21: {  	[dreg:$0x3] =	wrdreg s5  }
0x22: {  	[dreg:$0x4] =	wrdreg $0xC0  }
0x23: {  	_ =	task [dreg:s7], $0x5FFFF  }
0x24: {  	[dreg:$0x1] =	wrdreg $0xFFFFFFFF  }
0x25: {  	[dreg:$0x0] =	wrdreg $0x60  }
0x26: {  	[dreg:$0x2] =	wrdreg s25  }
0x27: {  	[dreg:$0x3] =	wrdreg s2  }
0x28: {  	[dreg:$0x4] =	wrdreg $0x9  }
0x29: {  	_ =	task.clear_ibuf [dreg:s7], $0x5FFFF;
	_ =	strace $0x90000046  }
0x2a: {  	s29 =	simm.s32 $0x9;
	_ =	strace $0x80000048  }
0x2b: {  	_ =	swait.ge [sflag:s29], $0x1  }
0x2c: {  	[sflag:s29] =	ssyncadd.s32 $0xFFFFFFFF  }
0x2d: {  	_ =	strace $0x90000048  }
0x2e: {  	_ =	sfence  }
0x2f: {  	s30 =	sld [smem:$0x0];
	_ =	sdelay $0x2  }
0x30: {  	s31 =	sshll.u32 s1, $0xD;
	s1 =	sshrl.u32 s1, $0x2  }
0x31: {  	s3 =	sand.u32 $0x4000, s31;
	s1 =	sadd.s32 s1, s30  }
0x32: {  	s0 =	sor.u32 s3, s0;
	s1 =	sshll.u32 s1, $0x11  }
0x33: {  	s0 =	sor.u32 s1, s0  }
0x34: {  	s0 =	sadd.s32 $0x8F2B, s0  }
0x35: {  	[sflag:s0] =	ssyncadd.remote.s32 $0x1  }
0x36: {  	_ =	sfence.sel $0xFFFF  }
0x37: {  	[dreg:$0x0] =	wrdreg $0xFFFFFFFF;
	(pc) =	sbr.abs _section_cstart, $3  }
0x38: {  	[dreg:$0x1] =	wrdreg $0xFFFFFFFF  }
0x39: {  	_ =	task.clear_ibuf [dreg:s7], $0x2FFFF;
	_ =	strace $0x9FFFFFFF  }
0x3a: {  	(tm) =	ssettm $0x7FFFFFFF  }
0x3b: {  	_ =	shalt  }
tec
execute0_lowered:
.L_overlay_start_1:
0x0: {  	(tag) =	ssettag $0x1  }
0x1: {  	s0 =	stileid.u32;
	s6 =	rddreg [dreg:$0x0]  }
0x2: {  	s2 =	rddreg [dreg:$0x1];
	s5 =	srdreg.scid  }
0x3: {  	s31 =	simm.s32 $0x2;
	s13 =	simm.s32 $0x0;
	s1 =	sshll.u32 s0, $0x7  }
0x4: {  	s14 =	simm.s32 $0x0;
	s12 =	simm.s32 $0x0;
	s3 =	sand.u32 $0x380, s1  }
0x5: {  	s5 =	sshll.u32 s5, $0x4;
	s6 =	sadd.s32 $0xE00, s6;
	s4 =	ssub.s32 $0x400, s3  }
0x6: {  	s1 =	rddreg [dreg:$0x2];
	_ =	strace $0x80000047;
	s7 =	sand.u32 $0x380, s4  }
0x7: {  	s5 =	sand.u32 $0x10, s5;
	p0 =	sne.s32 s7, $0x0;
	s7 =	simm.s32 $0x1  }
.Ltmp0:
0x8: {  	s8 =	sshrl.u32 s4, $0xA;
	s7 =	simm.s32 @!p0 $0x0;
	(pc) =	sbr.rel .LBB1_1-.Ltmp0, $4  }
0x9: {  	s9 =	sor.u32 s0, s5;
	s4 =	simm.s32 $0x1;
	s30 =	sadd.s32 s7, s8  }
0xa: {  	s11 =	smov.u32 s3;
	[sflag:s4] =	ssyncpa.u1 $0x0;
	s5 =	smul.u32 $0xFA, s30  }
0xb: {  	[sflag:s31] =	ssyncpa.u1 $0x0;
	p0 =	por $0x0, $0x0;
	s7 =	sshrl.u32 s9, $0x3  }
0xc: {  	s9 =	simm.s32 $0x2000;
	s10 =	smov.u32 s7;
	s8 =	sor.u32 $0x1, s5  }
.LBB1_4:
0xd: {  	s16 =	sand.u32 $0xF80, s14;
	s13 =	sshll.u32 s13, $0xC  }
0xe: {  	s18 =	sshrl.u32 s14, $0x3;
	s31 =	sand.u32 $0x7, s14;
	s16 =	sadd.s32 s2, s16  }
0xf: {  	s18 =	sand.u32 $0xF, s18;
	s14 =	sshll.u32 s31, $0x12;
	s13 =	sadd.s32 s13, s16  }
0x10: {  	[tilespmem:s17+$0x0 ss:$0x81] =	vst.msk $0xffff, v0;
	s14 =	sor.u32 $0x400, s14;
	s13 =	sadd.s32 s18, s13  }
0x11: {  	[hbm4b:s13+s14] =	stream.strided.scatter [tilespmem:s15], [sflag:$0x2], $0x1000, s9, s14, $0x20;
	[tilespmem:$0x4040] =	vst v63  }
.LBB1_5:
0x12: {  	s15 =	sadd.s32 $0x4, s10  }
0x13: {  	s13 =	sadd.s32 $0x400, s11;
	s17 =	smov.u32 s11;
	p2 =	sgt.s32 s15, $0x3E7  }
0x14: {  	s17 =	smov.u32 @p2 s13  }
0x15: {  	s15 =	smov.u32 @p2 s7;
	p2 =	sgt.s32 s17, $0x3FF  }
0x16: {  	s17 =	smov.u32 @p2 s3;
	p2 =	sne.s32 s12, s8  }
.Ltmp1:
0x17: {  	p1 =	slt.u32 s12, $0x2;
	(pc) =	sbr.rel @!p2 .LBB1_6-.Ltmp1, $4  }
0x18: {  	s16 =	simm.s32 @!p1 $0x2  }
0x19: {  	s14 =	smov.u32 s11;
	p0 =	por !p0, !p0;
	_ =	swait.ge @!p1 [sflag:s16], $0x1000  }
0x1a: {  	s13 =	smov.u32 s10;
	[sflag:s16] =	ssyncset.done @!p1 $0x0;
	s10 =	smov.u32 s15  }
0x1b: {  	s12 =	sadd.s32 $0x1, s12;
	[sflag:s16] =	ssyncadd.s32 @!p1 $0xFFFFF000;
	s11 =	smov.u32 s17  }
.LBB1_1:
0x1c: {  	p1 =	sge.u32 s12, s5  }
0x1d: {  	s15 =	sand.u32 @!p1 $0x1FFFFFF, s10  }
0x1e: {  	s16 =	smulhi.u32 @!p1 $0x20C49BB, s15;
	_ =	sdelay $0x1  }
0x1f: {  	s16 =	sshrl.u32 @!p1 s16, $0x3  }
0x20: {  	s16 =	smul.u32 @!p1 $0x3E8, s16  }
0x21: {  	s17 =	sxor.u32 @!p1 $0xFFFFFFFF, s12;
	s18 =	smul.u32 @!p1 $0x3E80, s11  }
0x22: {  	s31 =	sadd.s32 $0xFFFFFFFF, s12;
	s17 =	sshll.u32 @!p1 s17, $0xC;
	s15 =	ssub.s32 @!p1 s15, s16  }
0x23: {  	s16 =	sand.u32 @!p1 $0x1000, s17;
	s17 =	sadd.s32 @!p1 s6, s18;
	s15 =	sshll.u32 @!p1 s15, $0x4  }
0x24: {  	s18 =	simm.s32 @!p1 $0x1F400;
	s15 =	sadd.s32 @!p1 s15, s17;
	s17 =	simm.s32 @!p1 $0x20  }
0x25: {  	[tilespmem:s16], [sflag:$0x1] =	stream.strided.gather @!p1 [hbm4b:s15+s17], $0x1000, s18, s17, $0x38;
	[tilespmem:$0x4040] =	vst v63  }
0x26: {  	p1 =	sge.u32 s31, s5  }
.Ltmp2:
0x27: {  	_ = 	snop;
	(pc) =	sbr.rel @p1 .LBB1_5-.Ltmp2, $1  }
0x28: {  	_ =	sdelay $0x3  }
0x29: {  	s15 =	simm.s32 $0x1  }
0x2a: {  	_ =	swait.ge [sflag:s4], $0x1000;
	s15 =	simm.s32 @!p0 $0x0  }
0x2b: {  	[sflag:s4] =	ssyncset.done $0x0;
	s16 =	sshll.u32 s15, $0xC  }
0x2c: {  	[sflag:s4] =	ssyncadd.s32 $0xFFFFF000;
	s19 =	sor.u32 $0x10, s16  }
0x2d: {  	s15 =	smul.u32 $0x4080, s15;
	v1 =	vld [tilespmem:s19+$0x0]  }
0x2e: {  	s30 =	sand.u32 $0x1, s12;
	v0 =	vld [tilespmem:s19+$0xFFFFFFF0]  }
0x2f: {  	s17 =	smul.u32 $0x4080, s30;
	s15 =	sshrl.u32 s15, $0x2  }
0x30: {  	s16 =	sor.u32 $0x2000, s15  }
0x31: {  	s31 =	sshrl.u32 s17, $0x2;
	s17 =	sadd.s32 $0x0, s16  }
0x32: {  	s18 =	simm.s32 $0x4;
	s19 =	sadd.s32 $0x20, s19;
	s15 =	sor.u32 $0x2000, s31;
	[tilespmem:s17+$0x810 ss:$0x81] =	vst.msk $0xffff, v1  }
.LBB1_3:
0x33: {  	v1 =	vld [tilespmem:s19+$0x0];
	p1 =	sne.s32 s18, $0x1FC;
	[tilespmem:s17+$0x0 ss:$0x81] =	vst.msk $0xffff, v0;
	s17 =	smov.u32 s18;
	s18 =	sadd.s32 $0x4, s18  }
.Ltmp3:
0x34: {  	v0 =	vld [tilespmem:s19+$0xFFFFFFF0];
	(pc) =	sbr.rel @p1 .LBB1_3-.Ltmp3, $4  }
0x35: {  	_ = 	snop  }
0x36: {  	s17 =	sshra.s32 s17, $0x2  }
0x37: {  	s17 =	sadd.s32 s17, s16  }
0x38: {  	s19 =	sadd.s32 $0x20, s19;
	[tilespmem:s17+$0x810 ss:$0x81] =	vst.msk $0xffff, v1  }
.Ltmp4:
0x39: {  	_ = 	snop;
	(pc) =	sbr.rel .LBB1_4-.Ltmp4, $1  }
0x3a: {  	_ =	sdelay $0x3  }
.LBB1_6:
0x3b: {  	_ =	sfence.sel $0x180000  }
0x3c: {  	s2 =	simm.s32 $0x1;
	[bflag:$0x0] =	sbarrier.arrive $0xFFFF  }
0x3d: {  	s31 =	simm.s32 $0x2;
	[sflag:s2] =	ssyncpa.u1 $0x1  }
0x3e: {  	[sflag:s31] =	ssyncpa.u1 $0x1  }
0x3f: {  	p0 =	sne.s32 s0, $0x0;
	_ =	strace $0x90000047  }
0x40: {  	s0 =	sadd.s32 @!p0 $0x100000, s1;
	[bflag:$0x2] =	sbarrier.arrive $0xFFFF  }
0x41: {  	[sflag:s0] =	ssyncadd.tile.s32 @!p0 $0x1;
	_ =	shalt  }
.Lfunc_end1:
_tile_overlayer_lowered:
.L_overlay_start_2:
0x42: {  	(tag) =	ssettag $0x2  }
0x43: {  	s0 =	rddreg [dreg:$0x0];
	s2 =	stileid.u32  }
0x44: {  	s1 =	rddreg [dreg:$0x1];
	p0 =	sne.s32 s2, $0x0  }
0x45: {  	s3 =	rddreg [dreg:$0x2];
	[bflag:$0x3] =	sbarrier.arrive $0xFFFF;
	s2 =	simm.s32 @!p0 $0x1C01  }
0x46: {  	[timem:s3], [sflag:s2] =	dma.local @!p0 [hbm:s0], s1  }
0x47: {  	s0 =	simm.s32 @!p0 $0x1  }
0x48: {  	_ =	swait.ge @!p0 [sflag:s0], s1  }
0x49: {  	s1 =	ssub.s32 @!p0 $0x0, s1;
	[sflag:s0] =	ssyncset.done @!p0 $0x0  }
0x4a: {  	[sflag:s0] =	ssyncadd.s32 @!p0 s1  }
0x4b: {  	[bflag:$0x3] =	sbarrier.arrive $0xFFFF  }
0x4c: {  	_ =	shalt  }

</sc_bundles>
